<compile_context>
chip_gen: v7x
topology: tpu7x:2x2x1
jax: 0.10.2.dev20260603
libtpu: 0.0.44.dev20260713+nightly
codegen_flags: <defaults>
</compile_context>

<pallas_src>
import functools

import jax
import jax.numpy as jnp
from jax import lax
from jax.experimental import pallas as pl
from jax.experimental.pallas import tpu as pltpu
from jax.experimental.pallas import tpu_sc as plsc

_NW = 32
_LT = 128


def kernel(x, edge_index, expander_edges, virt_table):
    num_node = x.shape[0]
    num_virt = virt_table.shape[0]
    n_edges = edge_index.shape[1]
    edtype = edge_index.dtype

    ve_cols = 2 * num_virt * num_node

    cw = -(-n_edges // _NW // _LT) * _LT
    c_excess = _NW * cw - n_edges

    vw = -(-ve_cols // _NW // _LT) * _LT
    v_excess = _NW * vw - ve_cols

    mesh = plsc.VectorSubcoreMesh(core_axis_name="c", subcore_axis_name="s")

    @functools.partial(
        pl.kernel,
        out_type=(
            jax.ShapeDtypeStruct((2, 2 * n_edges), edtype),
            jax.ShapeDtypeStruct(virt_table.shape, virt_table.dtype),
            jax.ShapeDtypeStruct((2, ve_cols), edtype),
        ),
        mesh=mesh,
        scratch_types=[
            pltpu.VMEM((2, vw), jnp.int32),
            pltpu.VMEM((2, cw), jnp.int32),
            pltpu.VMEM((2, cw), jnp.int32),
            pltpu.SemaphoreType.DMA,
            pltpu.SemaphoreType.DMA,
            pltpu.SemaphoreType.DMA,
            pltpu.SemaphoreType.DMA,
        ],
    )
    def sc_kernel(edge_hbm, exp_hbm, virt_hbm, out_e, out_v, out_ve,
                  buf, ebuf, xbuf, csem, wsem, vesem, vsem):
        wid = lax.axis_index("s") * 2 + lax.axis_index("c")

        col = pl.multiple_of(wid * cw - (wid // (_NW - 1)) * c_excess, _LT)
        e_src = edge_hbm.at[:, pl.ds(col, cw)]
        x_src = exp_hbm.at[:, pl.ds(col, cw)]
        pltpu.make_async_copy(e_src, ebuf, csem).start()
        pltpu.make_async_copy(x_src, xbuf, csem).start()

        @pl.when(wid == 0)
        def _():
            pltpu.make_async_copy(virt_hbm, out_v, vsem).start()

        iota = lax.iota(jnp.int32, 16)
        off = pl.multiple_of(wid * vw - (wid // (_NW - 1)) * v_excess, _LT)
        seg0 = off // num_node
        within0 = off - seg0 * num_node

        def body(k, carry):
            seg, within = carry
            ar = within + iota
            cv = jnp.full((16,), num_node, jnp.int32) + (seg >> 1)
            even = (seg & 1) == 0
            buf[0, pl.ds(k * 16, 16)] = jnp.where(even, ar, cv)
            buf[1, pl.ds(k * 16, 16)] = jnp.where(even, cv, ar)
            within = within + 16
            wrap = within >= num_node
            seg = jnp.where(wrap, seg + 1, seg)
            within = jnp.where(wrap, 0, within)
            return (seg, within)

        e_dst = out_e.at[:, pl.ds(col, cw)]
        x_dst = out_e.at[:, pl.ds(pl.multiple_of(n_edges + col, _LT), cw)]
        pltpu.make_async_copy(e_src, ebuf, csem).wait()
        pltpu.make_async_copy(x_src, xbuf, csem).wait()
        pltpu.make_async_copy(ebuf, e_dst, wsem).start()
        pltpu.make_async_copy(xbuf, x_dst, wsem).start()

        lax.fori_loop(0, vw // 16, body, (seg0, within0), unroll=8)
        ve_dst = out_ve.at[:, pl.ds(off, vw)]
        pltpu.make_async_copy(buf, ve_dst, vesem).start()

        pltpu.make_async_copy(buf, ve_dst, vesem).wait()
        pltpu.make_async_copy(ebuf, e_dst, wsem).wait()
        pltpu.make_async_copy(xbuf, x_dst, wsem).wait()

        @pl.when(wid == 0)
        def _():
            pltpu.make_async_copy(virt_hbm, out_v, vsem).wait()

    return sc_kernel(edge_index, expander_edges, virt_table)

# --- scband reference (transcript-rebuilt; emitter-appended) ---
"""Pipeline reference for scband-expander-edge-fixer-10763188043970 (READ-ONLY COPY).

The authoritative reference and input builder live on the scoring server;
editing this copy changes nothing except your own understanding.
"""

import jax, jax.numpy as jnp
import numpy as np

NUM_NODES = 10000
DIM_HIDDEN = 128
NUM_VIRT = 8
N_EDGES = 320000

def setup_inputs(seed: int = 0) -> dict:
    key = jax.random.key(seed)
    k1, k2, k3, k4 = jax.random.split(key, 4)
    x = jax.random.normal(k1, (NUM_NODES, DIM_HIDDEN), dtype=jnp.float32)
    edge_index = jax.random.randint(k2, (2, N_EDGES), 0, NUM_NODES, dtype=jnp.int64)
    expander_edges = jax.random.randint(k3, (2, N_EDGES), 0, NUM_NODES, dtype=jnp.int64)
    # learned parameter: virtual node embedding table (nn.Embedding(num_virt_node, dim_hidden))
    virt_table = jax.random.normal(k4, (NUM_VIRT, DIM_HIDDEN), dtype=jnp.float32)
    return {"x": x, "edge_index": edge_index, "expander_edges": expander_edges, "virt_table": virt_table}

def reference(x, edge_index, expander_edges, virt_table):
    num_node = x.shape[0]
    num_virt = virt_table.shape[0]
    # add_edge_index=True and use_exp_edges=True -> both edge sets are kept
    edge_index_sets = [edge_index, expander_edges]
    global_h = []
    virt_edges = []
    for idx in range(num_virt):
        # embedding lookup: virt_node_emb(zeros(1, long) + idx)
        lookup_idx = jnp.zeros((1,), dtype=jnp.int32) + idx
        global_h.append(jnp.take(virt_table, lookup_idx, axis=0))
        src = jnp.arange(num_node, dtype=edge_index.dtype).reshape(1, -1)
        dst = jnp.full((1, num_node), num_node + idx, dtype=edge_index.dtype)
        virt_edges.append(jnp.concatenate([src, dst], axis=0))
        virt_edges.append(jnp.concatenate([dst, src], axis=0))
    virt_h = jnp.concatenate(global_h, axis=0)
    virt_edge_index = jnp.concatenate(virt_edges, axis=1)
    edge_index_out = jnp.concatenate(edge_index_sets, axis=1)
    return (edge_index_out, virt_h, virt_edge_index)

if __name__ == "__main__":
    import jax
    _d = setup_inputs()
    print(jax.jit(kernel)(*tuple(_d.values())))

</pallas_src>

<mosaic_0001>
#map = affine_map<(d0, d1) -> (0, 0)>
module attributes {stable_mosaic.version = 14 : i64} {
  func.func @sc_kernel(%arg0: i32, %arg1: i32, %arg2: memref<2x320000xi32, #tpu.memory_space<hbm>>, %arg3: memref<2x320000xi32, #tpu.memory_space<hbm>>, %arg4: memref<8x128xf32, #tpu.memory_space<hbm>>, %arg5: memref<2x640000xi32, #tpu.memory_space<hbm>>, %arg6: memref<8x128xf32, #tpu.memory_space<hbm>>, %arg7: memref<2x160000xi32, #tpu.memory_space<hbm>>, %arg8: memref<2x5120xi32, #tpu.memory_space<vmem>>, %arg9: memref<2x10112xi32, #tpu.memory_space<vmem>>, %arg10: memref<2x10112xi32, #tpu.memory_space<vmem>>, %arg11: memref<!tpu.dma_semaphore, #tpu.memory_space<semaphore_mem>>, %arg12: memref<!tpu.dma_semaphore, #tpu.memory_space<semaphore_mem>>, %arg13: memref<!tpu.dma_semaphore, #tpu.memory_space<semaphore_mem>>, %arg14: memref<!tpu.dma_semaphore, #tpu.memory_space<semaphore_mem>>) attributes {dimension_semantics = [#tpu.dimension_semantics<core_parallel>, #tpu.dimension_semantics<subcore_parallel>], iteration_bounds = array<i64: 2, 16>, scalar_prefetch = 0 : i64, scratch_operands = 7 : i64, tpu.core_type = #tpu.core_type<sc_vector_subcore>, window_params = [{transform_indices = #map}, {transform_indices = #map}, {transform_indices = #map}, {transform_indices = #map}, {transform_indices = #map}, {transform_indices = #map}]} {
    %mul3A = arith.constant 2 : i32
    %mul3A_0 = arith.muli %arg1, %mul3A : i32
    %add3A = arith.addi %mul3A_0, %arg0 : i32
    %mul3A_1 = arith.constant 10112 : i32
    %mul3A_2 = arith.muli %add3A, %mul3A_1 : i32
    %jit3A = arith.constant 31 : i32
    %div3A = arith.divsi %add3A, %jit3A : i32
    %sign3A = arith.constant 0 : i32
    %sign3A_3 = arith.cmpi sgt, %add3A, %sign3A : i32
    %sign3A_4 = arith.extui %sign3A_3 : i1 to i32
    %sign3A_5 = arith.constant 0 : i32
    %sign3A_6 = arith.cmpi slt, %add3A, %sign3A_5 : i32
    %sign3A_7 = arith.extui %sign3A_6 : i1 to i32
    %sign3A_8 = arith.subi %sign3A_4, %sign3A_7 : i32
    %sign3A_9 = arith.constant 0 : i32
    %sign3A_10 = arith.cmpi sgt, %jit3A, %sign3A_9 : i32
    %sign3A_11 = arith.extui %sign3A_10 : i1 to i32
    %sign3A_12 = arith.constant 0 : i32
    %sign3A_13 = arith.cmpi slt, %jit3A, %sign3A_12 : i32
    %sign3A_14 = arith.extui %sign3A_13 : i1 to i32
    %sign3A_15 = arith.subi %sign3A_11, %sign3A_14 : i32
    %ne3A = arith.cmpi ne, %sign3A_8, %sign3A_15 : i32
    %rem3A = arith.remsi %add3A, %jit3A : i32
    %ne3A_16 = arith.constant 0 : i32
    %ne3A_17 = arith.cmpi ne, %rem3A, %ne3A_16 : i32
    %and3A = arith.andi %ne3A, %ne3A_17 : i1
    %sub3A = arith.constant 1 : i32
    %sub3A_18 = arith.subi %div3A, %sub3A : i32
    %select_n3A = arith.select %and3A, %sub3A_18, %div3A : i32
    %mul3A_19 = arith.constant 3584 : i32
    %mul3A_20 = arith.muli %select_n3A, %mul3A_19 : i32
    %sub3A_21 = arith.subi %mul3A_2, %mul3A_20 : i32
    %multiple_of3A = tpu.assume_multiple %sub3A_21, 128 : i32
    %dma_start3A = arith.constant 0 : i32
    %dma_start3A_22 = tpu.memref_slice %arg2[%dma_start3A, %multiple_of3A] : memref<2x320000xi32, #tpu.memory_space<hbm>> -> memref<2x10112xi32, #tpu.memory_space<hbm>>
    %dma_start3A_23 = arith.constant 0 : i32
    %dma_start3A_24 = tpu.memref_slice %arg2[%dma_start3A_23, %multiple_of3A] : memref<2x320000xi32, #tpu.memory_space<hbm>> -> memref<2x10112xi32, #tpu.memory_space<hbm>>
    tpu.enqueue_dma source(%dma_start3A_24 : memref<2x10112xi32, #tpu.memory_space<hbm>>) target(%arg9 : memref<2x10112xi32, #tpu.memory_space<vmem>>) target_semaphore(%arg11 : memref<!tpu.dma_semaphore, #tpu.memory_space<semaphore_mem>>)
    %dma_start3A_25 = arith.constant 0 : i32
    %dma_start3A_26 = tpu.memref_slice %arg3[%dma_start3A_25, %multiple_of3A] : memref<2x320000xi32, #tpu.memory_space<hbm>> -> memref<2x10112xi32, #tpu.memory_space<hbm>>
    %dma_start3A_27 = arith.constant 0 : i32
    %dma_start3A_28 = tpu.memref_slice %arg3[%dma_start3A_27, %multiple_of3A] : memref<2x320000xi32, #tpu.memory_space<hbm>> -> memref<2x10112xi32, #tpu.memory_space<hbm>>
    tpu.enqueue_dma source(%dma_start3A_28 : memref<2x10112xi32, #tpu.memory_space<hbm>>) target(%arg10 : memref<2x10112xi32, #tpu.memory_space<vmem>>) target_semaphore(%arg11 : memref<!tpu.dma_semaphore, #tpu.memory_space<semaphore_mem>>)
    %eq3A = arith.constant 0 : i32
    %eq3A_29 = arith.cmpi eq, %add3A, %eq3A : i32
    %convert_element_type3A = arith.extui %eq3A_29 : i1 to i32
    %cond3A = arith.constant 0 : i32
    %cond3A_30 = arith.cmpi ne, %convert_element_type3A, %cond3A : i32
    scf.if %cond3A_30 {
      tpu.enqueue_dma source(%arg4 : memref<8x128xf32, #tpu.memory_space<hbm>>) target(%arg6 : memref<8x128xf32, #tpu.memory_space<hbm>>) target_semaphore(%arg14 : memref<!tpu.dma_semaphore, #tpu.memory_space<semaphore_mem>>)
    } else {
    }
    %iota3A = tpu.iota {dimensions = array<i32: 0>} : vector<16xi32>
    %mul3A_31 = arith.constant 5120 : i32
    %mul3A_32 = arith.muli %add3A, %mul3A_31 : i32
    %jit3A_33 = arith.constant 31 : i32
    %div3A_34 = arith.divsi %add3A, %jit3A_33 : i32
    %sign3A_35 = arith.constant 0 : i32
    %sign3A_36 = arith.cmpi sgt, %add3A, %sign3A_35 : i32
    %sign3A_37 = arith.extui %sign3A_36 : i1 to i32
    %sign3A_38 = arith.constant 0 : i32
    %sign3A_39 = arith.cmpi slt, %add3A, %sign3A_38 : i32
    %sign3A_40 = arith.extui %sign3A_39 : i1 to i32
    %sign3A_41 = arith.subi %sign3A_37, %sign3A_40 : i32
    %sign3A_42 = arith.constant 0 : i32
    %sign3A_43 = arith.cmpi sgt, %jit3A_33, %sign3A_42 : i32
    %sign3A_44 = arith.extui %sign3A_43 : i1 to i32
    %sign3A_45 = arith.constant 0 : i32
    %sign3A_46 = arith.cmpi slt, %jit3A_33, %sign3A_45 : i32
    %sign3A_47 = arith.extui %sign3A_46 : i1 to i32
    %sign3A_48 = arith.subi %sign3A_44, %sign3A_47 : i32
    %ne3A_49 = arith.cmpi ne, %sign3A_41, %sign3A_48 : i32
    %rem3A_50 = arith.remsi %add3A, %jit3A_33 : i32
    %ne3A_51 = arith.constant 0 : i32
    %ne3A_52 = arith.cmpi ne, %rem3A_50, %ne3A_51 : i32
    %and3A_53 = arith.andi %ne3A_49, %ne3A_52 : i1
    %sub3A_54 = arith.constant 1 : i32
    %sub3A_55 = arith.subi %div3A_34, %sub3A_54 : i32
    %select_n3A_56 = arith.select %and3A_53, %sub3A_55, %div3A_34 : i32
    %mul3A_57 = arith.constant 3840 : i32
    %mul3A_58 = arith.muli %select_n3A_56, %mul3A_57 : i32
    %sub3A_59 = arith.subi %mul3A_32, %mul3A_58 : i32
    %multiple_of3A_60 = tpu.assume_multiple %sub3A_59, 128 : i32
    %jit3A_61 = arith.constant 10000 : i32
    %div3A_62 = arith.divsi %multiple_of3A_60, %jit3A_61 : i32
    %sign3A_63 = arith.constant 0 : i32
    %sign3A_64 = arith.cmpi sgt, %multiple_of3A_60, %sign3A_63 : i32
    %sign3A_65 = arith.extui %sign3A_64 : i1 to i32
    %sign3A_66 = arith.constant 0 : i32
    %sign3A_67 = arith.cmpi slt, %multiple_of3A_60, %sign3A_66 : i32
    %sign3A_68 = arith.extui %sign3A_67 : i1 to i32
    %sign3A_69 = arith.subi %sign3A_65, %sign3A_68 : i32
    %sign3A_70 = arith.constant 0 : i32
    %sign3A_71 = arith.cmpi sgt, %jit3A_61, %sign3A_70 : i32
    %sign3A_72 = arith.extui %sign3A_71 : i1 to i32
    %sign3A_73 = arith.constant 0 : i32
    %sign3A_74 = arith.cmpi slt, %jit3A_61, %sign3A_73 : i32
    %sign3A_75 = arith.extui %sign3A_74 : i1 to i32
    %sign3A_76 = arith.subi %sign3A_72, %sign3A_75 : i32
    %ne3A_77 = arith.cmpi ne, %sign3A_69, %sign3A_76 : i32
    %rem3A_78 = arith.remsi %multiple_of3A_60, %jit3A_61 : i32
    %ne3A_79 = arith.constant 0 : i32
    %ne3A_80 = arith.cmpi ne, %rem3A_78, %ne3A_79 : i32
    %and3A_81 = arith.andi %ne3A_77, %ne3A_80 : i1
    %sub3A_82 = arith.constant 1 : i32
    %sub3A_83 = arith.subi %div3A_62, %sub3A_82 : i32
    %select_n3A_84 = arith.select %and3A_81, %sub3A_83, %div3A_62 : i32
    %mul3A_85 = arith.constant 10000 : i32
    %mul3A_86 = arith.muli %select_n3A_84, %mul3A_85 : i32
    %sub3A_87 = arith.subi %multiple_of3A_60, %mul3A_86 : i32
    %add3A_88 = arith.constant 320000 : i32
    %add3A_89 = arith.addi %add3A_88, %multiple_of3A : i32
    %multiple_of3A_90 = tpu.assume_multiple %add3A_89, 128 : i32
    %dma_wait3A = arith.constant 0 : i32
    %dma_wait3A_91 = tpu.memref_slice %arg2[%dma_wait3A, %multiple_of3A] : memref<2x320000xi32, #tpu.memory_space<hbm>> -> memref<2x10112xi32, #tpu.memory_space<hbm>>
    %dma_wait3A_92 = arith.constant 0 : i32
    %dma_wait3A_93 = tpu.memref_slice %arg2[%dma_wait3A_92, %multiple_of3A] : memref<2x320000xi32, #tpu.memory_space<hbm>> -> memref<2x10112xi32, #tpu.memory_space<hbm>>
    tpu.wait_dma2 semaphore(%arg11 : memref<!tpu.dma_semaphore, #tpu.memory_space<semaphore_mem>>) src(%dma_wait3A_93 : memref<2x10112xi32, #tpu.memory_space<hbm>>) dst(%arg9 : memref<2x10112xi32, #tpu.memory_space<vmem>>)
    %dma_wait3A_94 = arith.constant 0 : i32
    %dma_wait3A_95 = tpu.memref_slice %arg3[%dma_wait3A_94, %multiple_of3A] : memref<2x320000xi32, #tpu.memory_space<hbm>> -> memref<2x10112xi32, #tpu.memory_space<hbm>>
    %dma_wait3A_96 = arith.constant 0 : i32
    %dma_wait3A_97 = tpu.memref_slice %arg3[%dma_wait3A_96, %multiple_of3A] : memref<2x320000xi32, #tpu.memory_space<hbm>> -> memref<2x10112xi32, #tpu.memory_space<hbm>>
    tpu.wait_dma2 semaphore(%arg11 : memref<!tpu.dma_semaphore, #tpu.memory_space<semaphore_mem>>) src(%dma_wait3A_97 : memref<2x10112xi32, #tpu.memory_space<hbm>>) dst(%arg10 : memref<2x10112xi32, #tpu.memory_space<vmem>>)
    %dma_start3A_98 = arith.constant 0 : i32
    %dma_start3A_99 = tpu.memref_slice %arg5[%dma_start3A_98, %multiple_of3A] : memref<2x640000xi32, #tpu.memory_space<hbm>> -> memref<2x10112xi32, #tpu.memory_space<hbm>>
    %dma_start3A_100 = arith.constant 0 : i32
    %dma_start3A_101 = tpu.memref_slice %arg5[%dma_start3A_100, %multiple_of3A] : memref<2x640000xi32, #tpu.memory_space<hbm>> -> memref<2x10112xi32, #tpu.memory_space<hbm>>
    tpu.enqueue_dma source(%arg9 : memref<2x10112xi32, #tpu.memory_space<vmem>>) target(%dma_start3A_101 : memref<2x10112xi32, #tpu.memory_space<hbm>>) target_semaphore(%arg12 : memref<!tpu.dma_semaphore, #tpu.memory_space<semaphore_mem>>)
    %dma_start3A_102 = arith.constant 0 : i32
    %dma_start3A_103 = tpu.memref_slice %arg5[%dma_start3A_102, %multiple_of3A_90] : memref<2x640000xi32, #tpu.memory_space<hbm>> -> memref<2x10112xi32, #tpu.memory_space<hbm>>
    %dma_start3A_104 = arith.constant 0 : i32
    %dma_start3A_105 = tpu.memref_slice %arg5[%dma_start3A_104, %multiple_of3A_90] : memref<2x640000xi32, #tpu.memory_space<hbm>> -> memref<2x10112xi32, #tpu.memory_space<hbm>>
    tpu.enqueue_dma source(%arg10 : memref<2x10112xi32, #tpu.memory_space<vmem>>) target(%dma_start3A_105 : memref<2x10112xi32, #tpu.memory_space<hbm>>) target_semaphore(%arg12 : memref<!tpu.dma_semaphore, #tpu.memory_space<semaphore_mem>>)
    %scan3A = arith.constant 0 : i32
    %scan3A_106 = arith.constant 320 : i32
    %scan3A_107 = arith.addi %scan3A, %scan3A_106 : i32
    %scan3A_108 = arith.constant 8 : i32
    %scan3A_109:2 = scf.for %scan3A_132 = %scan3A to %scan3A_107 step %scan3A_108 iter_args(%scan3A_133 = %select_n3A_84, %scan3A_134 = %sub3A_87) -> (i32, i32)  : i32 {
      %add3A_135 = vector.broadcast %scan3A_134 : i32 to vector<16xi32>
      %add3A_136 = arith.addi %add3A_135, %iota3A : vector<16xi32>
      %broadcast_in_dim3A = arith.constant 10000 : i32
      %broadcast_in_dim3A_137 = vector.broadcast %broadcast_in_dim3A : i32 to vector<16xi32>
      %shift_right_arithmetic3A = arith.constant 1 : i32
      %shift_right_arithmetic3A_138 = arith.shrsi %scan3A_133, %shift_right_arithmetic3A : i32
      %add3A_139 = vector.broadcast %shift_right_arithmetic3A_138 : i32 to vector<16xi32>
      %add3A_140 = arith.addi %broadcast_in_dim3A_137, %add3A_139 : vector<16xi32>
      %and3A_141 = arith.constant 1 : i32
      %and3A_142 = arith.andi %scan3A_133, %and3A_141 : i32
      %eq3A_143 = arith.constant 0 : i32
      %eq3A_144 = arith.cmpi eq, %and3A_142, %eq3A_143 : i32
      %select_n3A_145 = arith.select %eq3A_144, %add3A_136, %add3A_140 : vector<16xi32>
      %mul3A_146 = arith.constant 16 : i32
      %mul3A_147 = arith.muli %scan3A_132, %mul3A_146 : i32
      %swap3A = arith.constant 0 : i32
      %swap3A_148 = arith.index_cast %swap3A : i32 to index
      %swap3A_149 = arith.index_cast %mul3A_147 : i32 to index
      %swap3A_150 = tpu.vector_load %arg8[%swap3A_148, %swap3A_149] {strides = array<i32>} : memref<2x5120xi32, #tpu.memory_space<vmem>>, vector<1x16xi32>,
      %swap3A_151 = vector.shape_cast %swap3A_150 : vector<1x16xi32> to vector<16xi32>
      %swap3A_152 = vector.shape_cast %select_n3A_145 : vector<16xi32> to vector<1x16xi32>
      tpu.vector_store %arg8[%swap3A_148, %swap3A_149], %swap3A_152 {strides = array<i32>} : memref<2x5120xi32, #tpu.memory_space<vmem>>, vector<1x16xi32>,
      %select_n3A_153 = arith.select %eq3A_144, %add3A_140, %add3A_136 : vector<16xi32>
      %mul3A_154 = arith.constant 16 : i32
      %mul3A_155 = arith.muli %scan3A_132, %mul3A_154 : i32
      %swap3A_156 = arith.constant 1 : i32
      %swap3A_157 = arith.index_cast %swap3A_156 : i32 to index
      %swap3A_158 = arith.index_cast %mul3A_155 : i32 to index
      %swap3A_159 = tpu.vector_load %arg8[%swap3A_157, %swap3A_158] {strides = array<i32>} : memref<2x5120xi32, #tpu.memory_space<vmem>>, vector<1x16xi32>,
      %swap3A_160 = vector.shape_cast %swap3A_159 : vector<1x16xi32> to vector<16xi32>
      %swap3A_161 = vector.shape_cast %select_n3A_153 : vector<16xi32> to vector<1x16xi32>
      tpu.vector_store %arg8[%swap3A_157, %swap3A_158], %swap3A_161 {strides = array<i32>} : memref<2x5120xi32, #tpu.memory_space<vmem>>, vector<1x16xi32>,
      %add3A_162 = arith.constant 16 : i32
      %add3A_163 = arith.addi %scan3A_134, %add3A_162 : i32
      %ge3A = arith.constant 10000 : i32
      %ge3A_164 = arith.cmpi sge, %add3A_163, %ge3A : i32
      %add3A_165 = arith.constant 1 : i32
      %add3A_166 = arith.addi %scan3A_133, %add3A_165 : i32
      %select_n3A_167 = arith.select %ge3A_164, %add3A_166, %scan3A_133 : i32
      %jit3A_168 = arith.constant 0 : i32
      %select_n3A_169 = arith.select %ge3A_164, %jit3A_168, %add3A_163 : i32
      %scan3A_170 = arith.constant 1 : i32
      %scan3A_171 = arith.addi %scan3A_132, %scan3A_170 : i32
      %add3A_172 = vector.broadcast %select_n3A_169 : i32 to vector<16xi32>
      %add3A_173 = arith.addi %add3A_172, %iota3A : vector<16xi32>
      %broadcast_in_dim3A_174 = arith.constant 10000 : i32
      %broadcast_in_dim3A_175 = vector.broadcast %broadcast_in_dim3A_174 : i32 to vector<16xi32>
      %shift_right_arithmetic3A_176 = arith.constant 1 : i32
      %shift_right_arithmetic3A_177 = arith.shrsi %select_n3A_167, %shift_right_arithmetic3A_176 : i32
      %add3A_178 = vector.broadcast %shift_right_arithmetic3A_177 : i32 to vector<16xi32>
      %add3A_179 = arith.addi %broadcast_in_dim3A_175, %add3A_178 : vector<16xi32>
      %and3A_180 = arith.constant 1 : i32
      %and3A_181 = arith.andi %select_n3A_167, %and3A_180 : i32
      %eq3A_182 = arith.constant 0 : i32
      %eq3A_183 = arith.cmpi eq, %and3A_181, %eq3A_182 : i32
      %select_n3A_184 = arith.select %eq3A_183, %add3A_173, %add3A_179 : vector<16xi32>
      %mul3A_185 = arith.constant 16 : i32
      %mul3A_186 = arith.muli %scan3A_171, %mul3A_185 : i32
      %swap3A_187 = arith.constant 0 : i32
      %swap3A_188 = arith.index_cast %swap3A_187 : i32 to index
      %swap3A_189 = arith.index_cast %mul3A_186 : i32 to index
      %swap3A_190 = tpu.vector_load %arg8[%swap3A_188, %swap3A_189] {strides = array<i32>} : memref<2x5120xi32, #tpu.memory_space<vmem>>, vector<1x16xi32>,
      %swap3A_191 = vector.shape_cast %swap3A_190 : vector<1x16xi32> to vector<16xi32>
      %swap3A_192 = vector.shape_cast %select_n3A_184 : vector<16xi32> to vector<1x16xi32>
      tpu.vector_store %arg8[%swap3A_188, %swap3A_189], %swap3A_192 {strides = array<i32>} : memref<2x5120xi32, #tpu.memory_space<vmem>>, vector<1x16xi32>,
      %select_n3A_193 = arith.select %eq3A_183, %add3A_179, %add3A_173 : vector<16xi32>
      %mul3A_194 = arith.constant 16 : i32
      %mul3A_195 = arith.muli %scan3A_171, %mul3A_194 : i32
      %swap3A_196 = arith.constant 1 : i32
      %swap3A_197 = arith.index_cast %swap3A_196 : i32 to index
      %swap3A_198 = arith.index_cast %mul3A_195 : i32 to index
      %swap3A_199 = tpu.vector_load %arg8[%swap3A_197, %swap3A_198] {strides = array<i32>} : memref<2x5120xi32, #tpu.memory_space<vmem>>, vector<1x16xi32>,
      %swap3A_200 = vector.shape_cast %swap3A_199 : vector<1x16xi32> to vector<16xi32>
      %swap3A_201 = vector.shape_cast %select_n3A_193 : vector<16xi32> to vector<1x16xi32>
      tpu.vector_store %arg8[%swap3A_197, %swap3A_198], %swap3A_201 {strides = array<i32>} : memref<2x5120xi32, #tpu.memory_space<vmem>>, vector<1x16xi32>,
      %add3A_202 = arith.constant 16 : i32
      %add3A_203 = arith.addi %select_n3A_169, %add3A_202 : i32
      %ge3A_204 = arith.constant 10000 : i32
      %ge3A_205 = arith.cmpi sge, %add3A_203, %ge3A_204 : i32
      %add3A_206 = arith.constant 1 : i32
      %add3A_207 = arith.addi %select_n3A_167, %add3A_206 : i32
      %select_n3A_208 = arith.select %ge3A_205, %add3A_207, %select_n3A_167 : i32
      %jit3A_209 = arith.constant 0 : i32
      %select_n3A_210 = arith.select %ge3A_205, %jit3A_209, %add3A_203 : i32
      %scan3A_211 = arith.constant 2 : i32
      %scan3A_212 = arith.addi %scan3A_132, %scan3A_211 : i32
      %add3A_213 = vector.broadcast %select_n3A_210 : i32 to vector<16xi32>
      %add3A_214 = arith.addi %add3A_213, %iota3A : vector<16xi32>
      %broadcast_in_dim3A_215 = arith.constant 10000 : i32
      %broadcast_in_dim3A_216 = vector.broadcast %broadcast_in_dim3A_215 : i32 to vector<16xi32>
      %shift_right_arithmetic3A_217 = arith.constant 1 : i32
      %shift_right_arithmetic3A_218 = arith.shrsi %select_n3A_208, %shift_right_arithmetic3A_217 : i32
      %add3A_219 = vector.broadcast %shift_right_arithmetic3A_218 : i32 to vector<16xi32>
      %add3A_220 = arith.addi %broadcast_in_dim3A_216, %add3A_219 : vector<16xi32>
      %and3A_221 = arith.constant 1 : i32
      %and3A_222 = arith.andi %select_n3A_208, %and3A_221 : i32
      %eq3A_223 = arith.constant 0 : i32
      %eq3A_224 = arith.cmpi eq, %and3A_222, %eq3A_223 : i32
      %select_n3A_225 = arith.select %eq3A_224, %add3A_214, %add3A_220 : vector<16xi32>
      %mul3A_226 = arith.constant 16 : i32
      %mul3A_227 = arith.muli %scan3A_212, %mul3A_226 : i32
      %swap3A_228 = arith.constant 0 : i32
      %swap3A_229 = arith.index_cast %swap3A_228 : i32 to index
      %swap3A_230 = arith.index_cast %mul3A_227 : i32 to index
      %swap3A_231 = tpu.vector_load %arg8[%swap3A_229, %swap3A_230] {strides = array<i32>} : memref<2x5120xi32, #tpu.memory_space<vmem>>, vector<1x16xi32>,
      %swap3A_232 = vector.shape_cast %swap3A_231 : vector<1x16xi32> to vector<16xi32>
      %swap3A_233 = vector.shape_cast %select_n3A_225 : vector<16xi32> to vector<1x16xi32>
      tpu.vector_store %arg8[%swap3A_229, %swap3A_230], %swap3A_233 {strides = array<i32>} : memref<2x5120xi32, #tpu.memory_space<vmem>>, vector<1x16xi32>,
      %select_n3A_234 = arith.select %eq3A_224, %add3A_220, %add3A_214 : vector<16xi32>
      %mul3A_235 = arith.constant 16 : i32
      %mul3A_236 = arith.muli %scan3A_212, %mul3A_235 : i32
      %swap3A_237 = arith.constant 1 : i32
      %swap3A_238 = arith.index_cast %swap3A_237 : i32 to index
      %swap3A_239 = arith.index_cast %mul3A_236 : i32 to index
      %swap3A_240 = tpu.vector_load %arg8[%swap3A_238, %swap3A_239] {strides = array<i32>} : memref<2x5120xi32, #tpu.memory_space<vmem>>, vector<1x16xi32>,
      %swap3A_241 = vector.shape_cast %swap3A_240 : vector<1x16xi32> to vector<16xi32>
      %swap3A_242 = vector.shape_cast %select_n3A_234 : vector<16xi32> to vector<1x16xi32>
      tpu.vector_store %arg8[%swap3A_238, %swap3A_239], %swap3A_242 {strides = array<i32>} : memref<2x5120xi32, #tpu.memory_space<vmem>>, vector<1x16xi32>,
      %add3A_243 = arith.constant 16 : i32
      %add3A_244 = arith.addi %select_n3A_210, %add3A_243 : i32
      %ge3A_245 = arith.constant 10000 : i32
      %ge3A_246 = arith.cmpi sge, %add3A_244, %ge3A_245 : i32
      %add3A_247 = arith.constant 1 : i32
      %add3A_248 = arith.addi %select_n3A_208, %add3A_247 : i32
      %select_n3A_249 = arith.select %ge3A_246, %add3A_248, %select_n3A_208 : i32
      %jit3A_250 = arith.constant 0 : i32
      %select_n3A_251 = arith.select %ge3A_246, %jit3A_250, %add3A_244 : i32
      %scan3A_252 = arith.constant 3 : i32
      %scan3A_253 = arith.addi %scan3A_132, %scan3A_252 : i32
      %add3A_254 = vector.broadcast %select_n3A_251 : i32 to vector<16xi32>
      %add3A_255 = arith.addi %add3A_254, %iota3A : vector<16xi32>
      %broadcast_in_dim3A_256 = arith.constant 10000 : i32
      %broadcast_in_dim3A_257 = vector.broadcast %broadcast_in_dim3A_256 : i32 to vector<16xi32>
      %shift_right_arithmetic3A_258 = arith.constant 1 : i32
      %shift_right_arithmetic3A_259 = arith.shrsi %select_n3A_249, %shift_right_arithmetic3A_258 : i32
      %add3A_260 = vector.broadcast %shift_right_arithmetic3A_259 : i32 to vector<16xi32>
      %add3A_261 = arith.addi %broadcast_in_dim3A_257, %add3A_260 : vector<16xi32>
      %and3A_262 = arith.constant 1 : i32
      %and3A_263 = arith.andi %select_n3A_249, %and3A_262 : i32
      %eq3A_264 = arith.constant 0 : i32
      %eq3A_265 = arith.cmpi eq, %and3A_263, %eq3A_264 : i32
      %select_n3A_266 = arith.select %eq3A_265, %add3A_255, %add3A_261 : vector<16xi32>
      %mul3A_267 = arith.constant 16 : i32
      %mul3A_268 = arith.muli %scan3A_253, %mul3A_267 : i32
      %swap3A_269 = arith.constant 0 : i32
      %swap3A_270 = arith.index_cast %swap3A_269 : i32 to index
      %swap3A_271 = arith.index_cast %mul3A_268 : i32 to index
      %swap3A_272 = tpu.vector_load %arg8[%swap3A_270, %swap3A_271] {strides = array<i32>} : memref<2x5120xi32, #tpu.memory_space<vmem>>, vector<1x16xi32>,
      %swap3A_273 = vector.shape_cast %swap3A_272 : vector<1x16xi32> to vector<16xi32>
      %swap3A_274 = vector.shape_cast %select_n3A_266 : vector<16xi32> to vector<1x16xi32>
      tpu.vector_store %arg8[%swap3A_270, %swap3A_271], %swap3A_274 {strides = array<i32>} : memref<2x5120xi32, #tpu.memory_space<vmem>>, vector<1x16xi32>,
      %select_n3A_275 = arith.select %eq3A_265, %add3A_261, %add3A_255 : vector<16xi32>
      %mul3A_276 = arith.constant 16 : i32
      %mul3A_277 = arith.muli %scan3A_253, %mul3A_276 : i32
      %swap3A_278 = arith.constant 1 : i32
      %swap3A_279 = arith.index_cast %swap3A_278 : i32 to index
      %swap3A_280 = arith.index_cast %mul3A_277 : i32 to index
      %swap3A_281 = tpu.vector_load %arg8[%swap3A_279, %swap3A_280] {strides = array<i32>} : memref<2x5120xi32, #tpu.memory_space<vmem>>, vector<1x16xi32>,
      %swap3A_282 = vector.shape_cast %swap3A_281 : vector<1x16xi32> to vector<16xi32>
      %swap3A_283 = vector.shape_cast %select_n3A_275 : vector<16xi32> to vector<1x16xi32>
      tpu.vector_store %arg8[%swap3A_279, %swap3A_280], %swap3A_283 {strides = array<i32>} : memref<2x5120xi32, #tpu.memory_space<vmem>>, vector<1x16xi32>,
      %add3A_284 = arith.constant 16 : i32
      %add3A_285 = arith.addi %select_n3A_251, %add3A_284 : i32
      %ge3A_286 = arith.constant 10000 : i32
      %ge3A_287 = arith.cmpi sge, %add3A_285, %ge3A_286 : i32
      %add3A_288 = arith.constant 1 : i32
      %add3A_289 = arith.addi %select_n3A_249, %add3A_288 : i32
      %select_n3A_290 = arith.select %ge3A_287, %add3A_289, %select_n3A_249 : i32
      %jit3A_291 = arith.constant 0 : i32
      %select_n3A_292 = arith.select %ge3A_287, %jit3A_291, %add3A_285 : i32
      %scan3A_293 = arith.constant 4 : i32
      %scan3A_294 = arith.addi %scan3A_132, %scan3A_293 : i32
      %add3A_295 = vector.broadcast %select_n3A_292 : i32 to vector<16xi32>
      %add3A_296 = arith.addi %add3A_295, %iota3A : vector<16xi32>
      %broadcast_in_dim3A_297 = arith.constant 10000 : i32
      %broadcast_in_dim3A_298 = vector.broadcast %broadcast_in_dim3A_297 : i32 to vector<16xi32>
      %shift_right_arithmetic3A_299 = arith.constant 1 : i32
      %shift_right_arithmetic3A_300 = arith.shrsi %select_n3A_290, %shift_right_arithmetic3A_299 : i32
      %add3A_301 = vector.broadcast %shift_right_arithmetic3A_300 : i32 to vector<16xi32>
      %add3A_302 = arith.addi %broadcast_in_dim3A_298, %add3A_301 : vector<16xi32>
      %and3A_303 = arith.constant 1 : i32
      %and3A_304 = arith.andi %select_n3A_290, %and3A_303 : i32
      %eq3A_305 = arith.constant 0 : i32
      %eq3A_306 = arith.cmpi eq, %and3A_304, %eq3A_305 : i32
      %select_n3A_307 = arith.select %eq3A_306, %add3A_296, %add3A_302 : vector<16xi32>
      %mul3A_308 = arith.constant 16 : i32
      %mul3A_309 = arith.muli %scan3A_294, %mul3A_308 : i32
      %swap3A_310 = arith.constant 0 : i32
      %swap3A_311 = arith.index_cast %swap3A_310 : i32 to index
      %swap3A_312 = arith.index_cast %mul3A_309 : i32 to index
      %swap3A_313 = tpu.vector_load %arg8[%swap3A_311, %swap3A_312] {strides = array<i32>} : memref<2x5120xi32, #tpu.memory_space<vmem>>, vector<1x16xi32>,
      %swap3A_314 = vector.shape_cast %swap3A_313 : vector<1x16xi32> to vector<16xi32>
      %swap3A_315 = vector.shape_cast %select_n3A_307 : vector<16xi32> to vector<1x16xi32>
      tpu.vector_store %arg8[%swap3A_311, %swap3A_312], %swap3A_315 {strides = array<i32>} : memref<2x5120xi32, #tpu.memory_space<vmem>>, vector<1x16xi32>,
      %select_n3A_316 = arith.select %eq3A_306, %add3A_302, %add3A_296 : vector<16xi32>
      %mul3A_317 = arith.constant 16 : i32
      %mul3A_318 = arith.muli %scan3A_294, %mul3A_317 : i32
      %swap3A_319 = arith.constant 1 : i32
      %swap3A_320 = arith.index_cast %swap3A_319 : i32 to index
      %swap3A_321 = arith.index_cast %mul3A_318 : i32 to index
      %swap3A_322 = tpu.vector_load %arg8[%swap3A_320, %swap3A_321] {strides = array<i32>} : memref<2x5120xi32, #tpu.memory_space<vmem>>, vector<1x16xi32>,
      %swap3A_323 = vector.shape_cast %swap3A_322 : vector<1x16xi32> to vector<16xi32>
      %swap3A_324 = vector.shape_cast %select_n3A_316 : vector<16xi32> to vector<1x16xi32>
      tpu.vector_store %arg8[%swap3A_320, %swap3A_321], %swap3A_324 {strides = array<i32>} : memref<2x5120xi32, #tpu.memory_space<vmem>>, vector<1x16xi32>,
      %add3A_325 = arith.constant 16 : i32
      %add3A_326 = arith.addi %select_n3A_292, %add3A_325 : i32
      %ge3A_327 = arith.constant 10000 : i32
      %ge3A_328 = arith.cmpi sge, %add3A_326, %ge3A_327 : i32
      %add3A_329 = arith.constant 1 : i32
      %add3A_330 = arith.addi %select_n3A_290, %add3A_329 : i32
      %select_n3A_331 = arith.select %ge3A_328, %add3A_330, %select_n3A_290 : i32
      %jit3A_332 = arith.constant 0 : i32
      %select_n3A_333 = arith.select %ge3A_328, %jit3A_332, %add3A_326 : i32
      %scan3A_334 = arith.constant 5 : i32
      %scan3A_335 = arith.addi %scan3A_132, %scan3A_334 : i32
      %add3A_336 = vector.broadcast %select_n3A_333 : i32 to vector<16xi32>
      %add3A_337 = arith.addi %add3A_336, %iota3A : vector<16xi32>
      %broadcast_in_dim3A_338 = arith.constant 10000 : i32
      %broadcast_in_dim3A_339 = vector.broadcast %broadcast_in_dim3A_338 : i32 to vector<16xi32>
      %shift_right_arithmetic3A_340 = arith.constant 1 : i32
      %shift_right_arithmetic3A_341 = arith.shrsi %select_n3A_331, %shift_right_arithmetic3A_340 : i32
      %add3A_342 = vector.broadcast %shift_right_arithmetic3A_341 : i32 to vector<16xi32>
      %add3A_343 = arith.addi %broadcast_in_dim3A_339, %add3A_342 : vector<16xi32>
      %and3A_344 = arith.constant 1 : i32
      %and3A_345 = arith.andi %select_n3A_331, %and3A_344 : i32
      %eq3A_346 = arith.constant 0 : i32
      %eq3A_347 = arith.cmpi eq, %and3A_345, %eq3A_346 : i32
      %select_n3A_348 = arith.select %eq3A_347, %add3A_337, %add3A_343 : vector<16xi32>
      %mul3A_349 = arith.constant 16 : i32
      %mul3A_350 = arith.muli %scan3A_335, %mul3A_349 : i32
      %swap3A_351 = arith.constant 0 : i32
      %swap3A_352 = arith.index_cast %swap3A_351 : i32 to index
      %swap3A_353 = arith.index_cast %mul3A_350 : i32 to index
      %swap3A_354 = tpu.vector_load %arg8[%swap3A_352, %swap3A_353] {strides = array<i32>} : memref<2x5120xi32, #tpu.memory_space<vmem>>, vector<1x16xi32>,
      %swap3A_355 = vector.shape_cast %swap3A_354 : vector<1x16xi32> to vector<16xi32>
      %swap3A_356 = vector.shape_cast %select_n3A_348 : vector<16xi32> to vector<1x16xi32>
      tpu.vector_store %arg8[%swap3A_352, %swap3A_353], %swap3A_356 {strides = array<i32>} : memref<2x5120xi32, #tpu.memory_space<vmem>>, vector<1x16xi32>,
      %select_n3A_357 = arith.select %eq3A_347, %add3A_343, %add3A_337 : vector<16xi32>
      %mul3A_358 = arith.constant 16 : i32
      %mul3A_359 = arith.muli %scan3A_335, %mul3A_358 : i32
      %swap3A_360 = arith.constant 1 : i32
      %swap3A_361 = arith.index_cast %swap3A_360 : i32 to index
      %swap3A_362 = arith.index_cast %mul3A_359 : i32 to index
      %swap3A_363 = tpu.vector_load %arg8[%swap3A_361, %swap3A_362] {strides = array<i32>} : memref<2x5120xi32, #tpu.memory_space<vmem>>, vector<1x16xi32>,
      %swap3A_364 = vector.shape_cast %swap3A_363 : vector<1x16xi32> to vector<16xi32>
      %swap3A_365 = vector.shape_cast %select_n3A_357 : vector<16xi32> to vector<1x16xi32>
      tpu.vector_store %arg8[%swap3A_361, %swap3A_362], %swap3A_365 {strides = array<i32>} : memref<2x5120xi32, #tpu.memory_space<vmem>>, vector<1x16xi32>,
      %add3A_366 = arith.constant 16 : i32
      %add3A_367 = arith.addi %select_n3A_333, %add3A_366 : i32
      %ge3A_368 = arith.constant 10000 : i32
      %ge3A_369 = arith.cmpi sge, %add3A_367, %ge3A_368 : i32
      %add3A_370 = arith.constant 1 : i32
      %add3A_371 = arith.addi %select_n3A_331, %add3A_370 : i32
      %select_n3A_372 = arith.select %ge3A_369, %add3A_371, %select_n3A_331 : i32
      %jit3A_373 = arith.constant 0 : i32
      %select_n3A_374 = arith.select %ge3A_369, %jit3A_373, %add3A_367 : i32
      %scan3A_375 = arith.constant 6 : i32
      %scan3A_376 = arith.addi %scan3A_132, %scan3A_375 : i32
      %add3A_377 = vector.broadcast %select_n3A_374 : i32 to vector<16xi32>
      %add3A_378 = arith.addi %add3A_377, %iota3A : vector<16xi32>
      %broadcast_in_dim3A_379 = arith.constant 10000 : i32
      %broadcast_in_dim3A_380 = vector.broadcast %broadcast_in_dim3A_379 : i32 to vector<16xi32>
      %shift_right_arithmetic3A_381 = arith.constant 1 : i32
      %shift_right_arithmetic3A_382 = arith.shrsi %select_n3A_372, %shift_right_arithmetic3A_381 : i32
      %add3A_383 = vector.broadcast %shift_right_arithmetic3A_382 : i32 to vector<16xi32>
      %add3A_384 = arith.addi %broadcast_in_dim3A_380, %add3A_383 : vector<16xi32>
      %and3A_385 = arith.constant 1 : i32
      %and3A_386 = arith.andi %select_n3A_372, %and3A_385 : i32
      %eq3A_387 = arith.constant 0 : i32
      %eq3A_388 = arith.cmpi eq, %and3A_386, %eq3A_387 : i32
      %select_n3A_389 = arith.select %eq3A_388, %add3A_378, %add3A_384 : vector<16xi32>
      %mul3A_390 = arith.constant 16 : i32
      %mul3A_391 = arith.muli %scan3A_376, %mul3A_390 : i32
      %swap3A_392 = arith.constant 0 : i32
      %swap3A_393 = arith.index_cast %swap3A_392 : i32 to index
      %swap3A_394 = arith.index_cast %mul3A_391 : i32 to index
      %swap3A_395 = tpu.vector_load %arg8[%swap3A_393, %swap3A_394] {strides = array<i32>} : memref<2x5120xi32, #tpu.memory_space<vmem>>, vector<1x16xi32>,
      %swap3A_396 = vector.shape_cast %swap3A_395 : vector<1x16xi32> to vector<16xi32>
      %swap3A_397 = vector.shape_cast %select_n3A_389 : vector<16xi32> to vector<1x16xi32>
      tpu.vector_store %arg8[%swap3A_393, %swap3A_394], %swap3A_397 {strides = array<i32>} : memref<2x5120xi32, #tpu.memory_space<vmem>>, vector<1x16xi32>,
      %select_n3A_398 = arith.select %eq3A_388, %add3A_384, %add3A_378 : vector<16xi32>
      %mul3A_399 = arith.constant 16 : i32
      %mul3A_400 = arith.muli %scan3A_376, %mul3A_399 : i32
      %swap3A_401 = arith.constant 1 : i32
      %swap3A_402 = arith.index_cast %swap3A_401 : i32 to index
      %swap3A_403 = arith.index_cast %mul3A_400 : i32 to index
      %swap3A_404 = tpu.vector_load %arg8[%swap3A_402, %swap3A_403] {strides = array<i32>} : memref<2x5120xi32, #tpu.memory_space<vmem>>, vector<1x16xi32>,
      %swap3A_405 = vector.shape_cast %swap3A_404 : vector<1x16xi32> to vector<16xi32>
      %swap3A_406 = vector.shape_cast %select_n3A_398 : vector<16xi32> to vector<1x16xi32>
      tpu.vector_store %arg8[%swap3A_402, %swap3A_403], %swap3A_406 {strides = array<i32>} : memref<2x5120xi32, #tpu.memory_space<vmem>>, vector<1x16xi32>,
      %add3A_407 = arith.constant 16 : i32
      %add3A_408 = arith.addi %select_n3A_374, %add3A_407 : i32
      %ge3A_409 = arith.constant 10000 : i32
      %ge3A_410 = arith.cmpi sge, %add3A_408, %ge3A_409 : i32
      %add3A_411 = arith.constant 1 : i32
      %add3A_412 = arith.addi %select_n3A_372, %add3A_411 : i32
      %select_n3A_413 = arith.select %ge3A_410, %add3A_412, %select_n3A_372 : i32
      %jit3A_414 = arith.constant 0 : i32
      %select_n3A_415 = arith.select %ge3A_410, %jit3A_414, %add3A_408 : i32
      %scan3A_416 = arith.constant 7 : i32
      %scan3A_417 = arith.addi %scan3A_132, %scan3A_416 : i32
      %add3A_418 = vector.broadcast %select_n3A_415 : i32 to vector<16xi32>
      %add3A_419 = arith.addi %add3A_418, %iota3A : vector<16xi32>
      %broadcast_in_dim3A_420 = arith.constant 10000 : i32
      %broadcast_in_dim3A_421 = vector.broadcast %broadcast_in_dim3A_420 : i32 to vector<16xi32>
      %shift_right_arithmetic3A_422 = arith.constant 1 : i32
      %shift_right_arithmetic3A_423 = arith.shrsi %select_n3A_413, %shift_right_arithmetic3A_422 : i32
      %add3A_424 = vector.broadcast %shift_right_arithmetic3A_423 : i32 to vector<16xi32>
      %add3A_425 = arith.addi %broadcast_in_dim3A_421, %add3A_424 : vector<16xi32>
      %and3A_426 = arith.constant 1 : i32
      %and3A_427 = arith.andi %select_n3A_413, %and3A_426 : i32
      %eq3A_428 = arith.constant 0 : i32
      %eq3A_429 = arith.cmpi eq, %and3A_427, %eq3A_428 : i32
      %select_n3A_430 = arith.select %eq3A_429, %add3A_419, %add3A_425 : vector<16xi32>
      %mul3A_431 = arith.constant 16 : i32
      %mul3A_432 = arith.muli %scan3A_417, %mul3A_431 : i32
      %swap3A_433 = arith.constant 0 : i32
      %swap3A_434 = arith.index_cast %swap3A_433 : i32 to index
      %swap3A_435 = arith.index_cast %mul3A_432 : i32 to index
      %swap3A_436 = tpu.vector_load %arg8[%swap3A_434, %swap3A_435] {strides = array<i32>} : memref<2x5120xi32, #tpu.memory_space<vmem>>, vector<1x16xi32>,
      %swap3A_437 = vector.shape_cast %swap3A_436 : vector<1x16xi32> to vector<16xi32>
      %swap3A_438 = vector.shape_cast %select_n3A_430 : vector<16xi32> to vector<1x16xi32>
      tpu.vector_store %arg8[%swap3A_434, %swap3A_435], %swap3A_438 {strides = array<i32>} : memref<2x5120xi32, #tpu.memory_space<vmem>>, vector<1x16xi32>,
      %select_n3A_439 = arith.select %eq3A_429, %add3A_425, %add3A_419 : vector<16xi32>
      %mul3A_440 = arith.constant 16 : i32
      %mul3A_441 = arith.muli %scan3A_417, %mul3A_440 : i32
      %swap3A_442 = arith.constant 1 : i32
      %swap3A_443 = arith.index_cast %swap3A_442 : i32 to index
      %swap3A_444 = arith.index_cast %mul3A_441 : i32 to index
      %swap3A_445 = tpu.vector_load %arg8[%swap3A_443, %swap3A_444] {strides = array<i32>} : memref<2x5120xi32, #tpu.memory_space<vmem>>, vector<1x16xi32>,
      %swap3A_446 = vector.shape_cast %swap3A_445 : vector<1x16xi32> to vector<16xi32>
      %swap3A_447 = vector.shape_cast %select_n3A_439 : vector<16xi32> to vector<1x16xi32>
      tpu.vector_store %arg8[%swap3A_443, %swap3A_444], %swap3A_447 {strides = array<i32>} : memref<2x5120xi32, #tpu.memory_space<vmem>>, vector<1x16xi32>,
      %add3A_448 = arith.constant 16 : i32
      %add3A_449 = arith.addi %select_n3A_415, %add3A_448 : i32
      %ge3A_450 = arith.constant 10000 : i32
      %ge3A_451 = arith.cmpi sge, %add3A_449, %ge3A_450 : i32
      %add3A_452 = arith.constant 1 : i32
      %add3A_453 = arith.addi %select_n3A_413, %add3A_452 : i32
      %select_n3A_454 = arith.select %ge3A_451, %add3A_453, %select_n3A_413 : i32
      %jit3A_455 = arith.constant 0 : i32
      %select_n3A_456 = arith.select %ge3A_451, %jit3A_455, %add3A_449 : i32
      scf.yield %select_n3A_454, %select_n3A_456 : i32, i32
    }
    %scan3A_110 = arith.constant 320 : i32
    %dma_start3A_111 = arith.constant 0 : i32
    %dma_start3A_112 = tpu.memref_slice %arg7[%dma_start3A_111, %multiple_of3A_60] : memref<2x160000xi32, #tpu.memory_space<hbm>> -> memref<2x5120xi32, #tpu.memory_space<hbm>>
    %dma_start3A_113 = arith.constant 0 : i32
    %dma_start3A_114 = tpu.memref_slice %arg7[%dma_start3A_113, %multiple_of3A_60] : memref<2x160000xi32, #tpu.memory_space<hbm>> -> memref<2x5120xi32, #tpu.memory_space<hbm>>
    tpu.enqueue_dma source(%arg8 : memref<2x5120xi32, #tpu.memory_space<vmem>>) target(%dma_start3A_114 : memref<2x5120xi32, #tpu.memory_space<hbm>>) target_semaphore(%arg13 : memref<!tpu.dma_semaphore, #tpu.memory_space<semaphore_mem>>)
    %dma_wait3A_115 = arith.constant 0 : i32
    %dma_wait3A_116 = tpu.memref_slice %arg7[%dma_wait3A_115, %multiple_of3A_60] : memref<2x160000xi32, #tpu.memory_space<hbm>> -> memref<2x5120xi32, #tpu.memory_space<hbm>>
    %dma_wait3A_117 = arith.constant 0 : i32
    %dma_wait3A_118 = tpu.memref_slice %arg7[%dma_wait3A_117, %multiple_of3A_60] : memref<2x160000xi32, #tpu.memory_space<hbm>> -> memref<2x5120xi32, #tpu.memory_space<hbm>>
    tpu.wait_dma2 semaphore(%arg13 : memref<!tpu.dma_semaphore, #tpu.memory_space<semaphore_mem>>) src(%arg8 : memref<2x5120xi32, #tpu.memory_space<vmem>>) dst(%dma_wait3A_118 : memref<2x5120xi32, #tpu.memory_space<hbm>>)
    %dma_wait3A_119 = arith.constant 0 : i32
    %dma_wait3A_120 = tpu.memref_slice %arg5[%dma_wait3A_119, %multiple_of3A] : memref<2x640000xi32, #tpu.memory_space<hbm>> -> memref<2x10112xi32, #tpu.memory_space<hbm>>
    %dma_wait3A_121 = arith.constant 0 : i32
    %dma_wait3A_122 = tpu.memref_slice %arg5[%dma_wait3A_121, %multiple_of3A] : memref<2x640000xi32, #tpu.memory_space<hbm>> -> memref<2x10112xi32, #tpu.memory_space<hbm>>
    tpu.wait_dma2 semaphore(%arg12 : memref<!tpu.dma_semaphore, #tpu.memory_space<semaphore_mem>>) src(%arg9 : memref<2x10112xi32, #tpu.memory_space<vmem>>) dst(%dma_wait3A_122 : memref<2x10112xi32, #tpu.memory_space<hbm>>)
    %dma_wait3A_123 = arith.constant 0 : i32
    %dma_wait3A_124 = tpu.memref_slice %arg5[%dma_wait3A_123, %multiple_of3A_90] : memref<2x640000xi32, #tpu.memory_space<hbm>> -> memref<2x10112xi32, #tpu.memory_space<hbm>>
    %dma_wait3A_125 = arith.constant 0 : i32
    %dma_wait3A_126 = tpu.memref_slice %arg5[%dma_wait3A_125, %multiple_of3A_90] : memref<2x640000xi32, #tpu.memory_space<hbm>> -> memref<2x10112xi32, #tpu.memory_space<hbm>>
    tpu.wait_dma2 semaphore(%arg12 : memref<!tpu.dma_semaphore, #tpu.memory_space<semaphore_mem>>) src(%arg10 : memref<2x10112xi32, #tpu.memory_space<vmem>>) dst(%dma_wait3A_126 : memref<2x10112xi32, #tpu.memory_space<hbm>>)
    %eq3A_127 = arith.constant 0 : i32
    %eq3A_128 = arith.cmpi eq, %add3A, %eq3A_127 : i32
    %convert_element_type3A_129 = arith.extui %eq3A_128 : i1 to i32
    %cond3A_130 = arith.constant 0 : i32
    %cond3A_131 = arith.cmpi ne, %convert_element_type3A_129, %cond3A_130 : i32
    scf.if %cond3A_131 {
      tpu.wait_dma2 semaphore(%arg14 : memref<!tpu.dma_semaphore, #tpu.memory_space<semaphore_mem>>) src(%arg4 : memref<8x128xf32, #tpu.memory_space<hbm>>) dst(%arg6 : memref<8x128xf32, #tpu.memory_space<hbm>>)
    } else {
    }
    return
  }
}

</mosaic_0001>

<sc_bundles>
// kernel: kernel.3.cloned.1.call-start
scs
__scs_entry_jumppad:
0x0: {  	(pc) =	sbr.rel $0x88, $3  }
0x1: {  	(tag) =	ssettag $0x0;
	lr =	simm.s32 $0x1  }
0x2: {  	[smem:$0x3F9E] =	sst lr;
	_ =	strace $0xD0000000  }
0x3: {  	_ = 	snop  }
0x4: {  	_ = 	snop  }
0x5: {  	_ = 	snop  }
0x6: {  	_ = 	snop  }
0x7: {  	_ = 	snop  }
__scs_overlays_trampoline_lowered:
0x8: {  	[smem:$0x3FAD] =	sst s0  }
0x9: {  	[smem:$0x3FAE] =	sst s1  }
0xa: {  	[smem:$0x3FAF] =	sst s2  }
0xb: {  	[smem:$0x3FB0] =	sst s3  }
0xc: {  	[smem:$0x3FB1] =	sst s4  }
0xd: {  	[smem:$0x3FB2] =	sst s5  }
0xe: {  	[smem:$0x3FB3] =	sst s6  }
0xf: {  	[smem:$0x3FB4] =	sst s7  }
0x10: {  	[smem:$0x3FB5] =	sst s8  }
0x11: {  	[smem:$0x3FB6] =	sst s9;
	s0 =	simm.s32 @!p0 $0x0  }
0x12: {  	s1 =	sld [smem:$0x3F9C];
	s0 =	simm.s32 @p0 $0x1  }
0x13: {  	[smem:$0x3FB7] =	sst s0;
	s0 =	simm.s32 @!p1 $0x0  }
0x14: {  	s2 =	sld [smem:$0x3F9B];
	s0 =	simm.s32 @p1 $0x1  }
0x15: {  	[smem:$0x3FB8] =	sst s0;
	s0 =	simm.s32 @!p2 $0x0  }
0x16: {  	s3 =	sld [smem:$0x3FDB];
	s0 =	simm.s32 @p2 $0x1  }
0x17: {  	s4 =	simm.s32 $0x1BF5;
	[smem:$0x3FBA] =	sst s0  }
0x18: {  	s0 =	sld [smem:$0x3F9D];
	_ =	swait.ge [sflag:s4], $0x0  }
0x19: {  	s7 =	sld [smem:$0x3F9E]  }
0x1a: {  	s8 =	sadd.s32 $0xFFFFE003, lr  }
0x1b: {  	s9 =	sadd.s32 $0xFFFFFEF7, lr;
	s5 =	simm.s32 $0xFFFFFFFF;
	p2 =	slt.u32 s8, $0xFFFFF086  }
0x1c: {  	p1 =	slt.u32 s9, $0xF7A;
	s5 =	simm.s32 @!p2 $0x0  }
0x1d: {  	s5 =	simm.s32 @p1 $0x1;
	p0 =	seq.s32 s7, s2  }
0x1e: {  	s7 =	smul.u32 @!p0 $0xF7A, s2;
	p2 =	seq.s32 @!p0 s5, $0x0  }
0x1f: {  	s9 =	smul.u32 $0xF7A, s1;
	s8 =	simm.s32 @!p0 $0x1BF5;
	p2 =	por !p2, p0  }
0x20: {  	[sflag:s8] =	ssyncset.s32 @!p0 $0xFFFFF086;
	s6 =	sadd.s32 @!p0 s3, s7;
	s7 =	simm.s32 @!p0 $0x108  }
0x21: {  	s3 =	sadd.s32 s3, s9;
	s6 =	sadd.s32 @!p0 $0x88, s6;
	s7 =	simm.s32 @p2 $0x1082  }
0x22: {  	[simem:s7], [sflag:s8] =	dma.local @!p0 [hbm:s6], $0xF7A  }
0x23: {  	s9 =	sor.u32 $0xD0000000, s2;
	s6 =	simm.s32 $0x108;
	_ =	swait.ge @!p0 [sflag:s8], $0x0  }
0x24: {  	s3 =	sadd.s32 $0x88, s3;
	s6 =	simm.s32 @!p1 $0x1082;
	[sflag:s4] =	ssyncset.s32 $0xFFFFF086  }
0x25: {  	[simem:s6], [sflag:s4] =	dma.local [hbm:s3], $0xF7A  }
0x26: {  	[smem:$0x3F9E] =	sst s1;
	(tag) =	ssettag s2;
	_ =	strace s9  }
0x27: {  	s1 =	sld [smem:$0x3FAE]  }
0x28: {  	s2 =	sld [smem:$0x3FAF]  }
0x29: {  	s4 =	sld [smem:$0x3FB1]  }
0x2a: {  	p0 =	seq.s32 s5, $0x0;
	s5 =	sld [smem:$0x3FB2]  }
0x2b: {  	s6 =	sld [smem:$0x3FB3]  }
0x2c: {  	s7 =	sld [smem:$0x3FB4]  }
0x2d: {  	s3 =	simm.s32 $0x108;
	s8 =	sld [smem:$0x3FB5]  }
0x2e: {  	s3 =	simm.s32 @!p0 $0x1082;
	s9 =	sld [smem:$0x3FB6]  }
0x2f: {  	lr =	sadd.s32 s0, s3;
	s0 =	sld [smem:$0x3FAD]  }
0x30: {  	s3 =	sld [smem:$0x3FB0]  }
0x31: {  	[smem:$0x3FB9] =	sst s10  }
0x32: {  	s10 =	sld [smem:$0x3FB7];
	_ =	sdelay $0x3  }
0x33: {  	p0 =	seq.s32 s10, $0x1;
	s10 =	sld [smem:$0x3FB9];
	_ =	sdelay $0x3  }
0x34: {  	[smem:$0x3FB9] =	sst s10  }
0x35: {  	s10 =	sld [smem:$0x3FB8];
	_ =	sdelay $0x3  }
0x36: {  	p1 =	seq.s32 s10, $0x1;
	s10 =	sld [smem:$0x3FB9];
	_ =	sdelay $0x3  }
0x37: {  	[smem:$0x3FB9] =	sst s10  }
0x38: {  	s10 =	sld [smem:$0x3FBA]  }
0x39: {  	_ = 	snop;
	(pc) =	sbr.ind lr, $3  }
0x3a: {  	_ = 	snop  }
0x3b: {  	_ = 	snop  }
0x3c: {  	p2 =	seq.s32 s10, $0x1;
	s10 =	sld [smem:$0x3FB9]  }
0x3d: {  	_ =	shalt  }
0x3e: {  	_ =	shalt  }
0x3f: {  	_ =	shalt  }
0x40: {  	_ =	shalt  }
0x41: {  	_ =	shalt  }
0x42: {  	_ =	shalt  }
0x43: {  	_ =	shalt  }
0x44: {  	_ =	shalt  }
0x45: {  	_ =	shalt  }
0x46: {  	_ =	shalt  }
0x47: {  	_ =	shalt  }
0x48: {  	_ =	shalt  }
0x49: {  	_ =	shalt  }
0x4a: {  	_ =	shalt  }
0x4b: {  	_ =	shalt  }
0x4c: {  	_ =	shalt  }
0x4d: {  	_ =	shalt  }
0x4e: {  	_ =	shalt  }
0x4f: {  	_ =	shalt  }
0x50: {  	_ =	shalt  }
0x51: {  	_ =	shalt  }
0x52: {  	_ =	shalt  }
0x53: {  	_ =	shalt  }
0x54: {  	_ =	shalt  }
0x55: {  	_ =	shalt  }
0x56: {  	_ =	shalt  }
0x57: {  	_ =	shalt  }
0x58: {  	_ =	shalt  }
0x59: {  	_ =	shalt  }
0x5a: {  	_ =	shalt  }
0x5b: {  	_ =	shalt  }
0x5c: {  	_ =	shalt  }
0x5d: {  	_ =	shalt  }
0x5e: {  	_ =	shalt  }
0x5f: {  	_ =	shalt  }
0x60: {  	_ =	shalt  }
0x61: {  	_ =	shalt  }
0x62: {  	_ =	shalt  }
0x63: {  	_ =	shalt  }
0x64: {  	_ =	shalt  }
0x65: {  	_ =	shalt  }
0x66: {  	_ =	shalt  }
0x67: {  	_ =	shalt  }
0x68: {  	_ =	shalt  }
0x69: {  	_ =	shalt  }
0x6a: {  	_ =	shalt  }
0x6b: {  	_ =	shalt  }
0x6c: {  	_ =	shalt  }
0x6d: {  	_ =	shalt  }
0x6e: {  	_ =	shalt  }
0x6f: {  	_ =	shalt  }
0x70: {  	_ =	shalt  }
0x71: {  	_ =	shalt  }
0x72: {  	_ =	shalt  }
0x73: {  	_ =	shalt  }
0x74: {  	_ =	shalt  }
0x75: {  	_ =	shalt  }
0x76: {  	_ =	shalt  }
0x77: {  	_ =	shalt  }
0x78: {  	_ =	shalt  }
0x79: {  	_ =	shalt  }
0x7a: {  	_ =	shalt  }
0x7b: {  	_ =	shalt  }
0x7c: {  	_ =	shalt  }
0x7d: {  	_ =	shalt  }
0x7e: {  	_ =	shalt  }
0x7f: {  	_ =	shalt  }
0x80: {  	_ =	shalt  }
0x81: {  	_ =	shalt  }
0x82: {  	_ =	shalt  }
0x83: {  	_ =	shalt  }
0x84: {  	_ =	shalt  }
0x85: {  	_ =	shalt  }
0x86: {  	_ =	shalt  }
0x87: {  	_ =	shalt  }
.Lfunc_end0:
.L_simem_size_0:
called_computation_lowered:
.L_overlay_start_0:
0x88: {  	s2 =	sld [smem:$0x3FD9]  }
0x89: {  	s3 =	sld [smem:$0x3FFE];
	_ =	sdelay $0x1  }
0x8a: {  	s1 =	srdreg.scid  }
0x8b: {  	s0 =	sand.u32 $0x1, s1  }
0x8c: {  	s15 =	sshll.u32 s0, $0xA;
	s2 =	sadd.s32 s3, s2  }
0x8d: {  	s2 =	sadd.s32 s2, s15  }
0x8e: {  	[smem:$0x3FC5] =	sst s2  }
0x8f: {  	_ = 	snop  }
0x90: {  	s2 =	sld [smem:$0x3FD0]  }
0x91: {  	s16 =	sld [smem:$0x3FC9]  }
0x92: {  	s4 =	sld [smem:$0x3FC8]  }
0x93: {  	s6 =	simm.s32 $0xA;
	s7 =	simm.s32 $0x10;
	s5 =	sld [smem:$0x3FC7]  }
0x94: {  	[smem:s7], [sflag:s6] =	dma.local [hbm:s2], $0x1  }
0x95: {  	_ =	swait.eq [sflag:s6], $0x1  }
0x96: {  	s17 =	sld [smem:$0x10];
	[sflag:s6] =	ssyncset.done $0x0  }
0x97: {  	s18 =	sld [smem:$0x11];
	[sflag:s6] =	ssyncadd.s32 $0xFFFFFFFF  }
0x98: {  	s19 =	sld [smem:$0x12];
	(tm) =	ssettm $0x1  }
0x99: {  	s8 =	sld [smem:$0x3FFB];
	_ =	sdelay $0x3  }
0x9a: {  	_ =	strace s8  }
0x9b: {  	s8 =	sld [smem:$0x3FFC];
	_ =	sdelay $0x3  }
0x9c: {  	_ =	strace s8  }
0x9d: {  	s8 =	sld [smem:$0x3FFD];
	_ =	sdelay $0x3  }
0x9e: {  	_ =	strace s8  }
0x9f: {  	_ =	strace $0x8FFFFFFF  }
0xa0: {  	s20 =	sld [smem:$0x3FDB];
	_ =	sdelay $0x1  }
0xa1: {  	s9 =	simm.s32 $_scs_section_size  }
0xa2: {  	s10 =	simm.s32 $_size__tile_overlayer_lowered;
	s11 =	simm.s32 $_tile_overlayer_lowered  }
0xa3: {  	s23 =	simm.s32 $0x1BFF;
	s22 =	sshll.u32 s11, $0x1;
	s8 =	sadd.s32 s9, s20  }
0xa4: {  	s12 =	simm.s32 $0x0;
	s21 =	sshll.u32 s10, $0x1;
	s10 =	sadd.s32 s22, s8  }
0xa5: {  	[timem:s12], [sflag:s23] =	dma.local [hbm:s10], s21  }
0xa6: {  	_ =	swait.ge [sflag:s23], s21  }
0xa7: {  	s9 =	ssub.s32 $0x0, s21;
	[sflag:s23] =	ssyncset.done $0x0  }
0xa8: {  	[sflag:s23] =	ssyncadd.s32 s9;
	_ =	sdelay $0x1  }
0xa9: {  	s24 =	simm.s32 $0x1B8B  }
0xaa: {  	_ =	swait.ge [sflag:s24], $0x1  }
0xab: {  	[sflag:s24] =	ssyncset.done $0x0  }
0xac: {  	s25 =	simm.s32 $0x1B8E;
	[sflag:s24] =	ssyncadd.s32 $0xFFFFFFFF  }
0xad: {  	s26 =	simm.s32 $execute0_lowered;
	[smem:$0x3FD2] =	sst s25  }
0xae: {  	s9 =	sshll.u32 s26, $0x1;
	_ =	strace $0x80000046;
	[dreg:$0x1] =	wrdreg $0xFFFFFFFF  }
0xaf: {  	s28 =	simm.s32 $_size_execute0_lowered;
	s8 =	sadd.s32 s8, s9;
	[dreg:$0x0] =	wrdreg $0x0  }
0xb0: {  	s9 =	sshll.u32 s28, $0x1;
	[dreg:$0x2] =	wrdreg s8  }
0xb1: {  	[dreg:$0x3] =	wrdreg s9  }
0xb2: {  	[dreg:$0x4] =	wrdreg $0xC0  }
0xb3: {  	_ =	task [dreg:s12], $0x5FFFF  }
0xb4: {  	[dreg:$0x1] =	wrdreg $0xFFFFFFFF  }
0xb5: {  	[dreg:$0x0] =	wrdreg $0x60  }
0xb6: {  	[dreg:$0x2] =	wrdreg s16  }
0xb7: {  	[dreg:$0x3] =	wrdreg s4  }
0xb8: {  	[dreg:$0x4] =	wrdreg s5  }
0xb9: {  	[dreg:$0x5] =	wrdreg s17  }
0xba: {  	[dreg:$0x6] =	wrdreg s18  }
0xbb: {  	[dreg:$0x7] =	wrdreg s19  }
0xbc: {  	[dreg:$0x8] =	wrdreg $0x9  }
0xbd: {  	_ =	task.clear_ibuf [dreg:s12], $0x9FFFF;
	_ =	strace $0x90000046  }
0xbe: {  	s29 =	simm.s32 $0x9;
	_ =	strace $0x80000048  }
0xbf: {  	_ =	swait.ge [sflag:s29], $0x1  }
0xc0: {  	[sflag:s29] =	ssyncadd.s32 $0xFFFFFFFF  }
0xc1: {  	_ =	strace $0x90000048  }
0xc2: {  	_ =	sfence  }
0xc3: {  	s30 =	sld [smem:$0x0];
	_ =	sdelay $0x2  }
0xc4: {  	s31 =	sshll.u32 s1, $0xD;
	s1 =	sshrl.u32 s1, $0x2  }
0xc5: {  	s3 =	sand.u32 $0x4000, s31;
	s1 =	sadd.s32 s1, s30  }
0xc6: {  	s0 =	sor.u32 s3, s0;
	s1 =	sshll.u32 s1, $0x11  }
0xc7: {  	s0 =	sor.u32 s1, s0  }
0xc8: {  	s0 =	sadd.s32 $0x8F2B, s0  }
0xc9: {  	[sflag:s0] =	ssyncadd.remote.s32 $0x1  }
0xca: {  	_ =	sfence.sel $0xFFFF  }
0xcb: {  	[dreg:$0x0] =	wrdreg $0xFFFFFFFF;
	(pc) =	sbr.abs _section_cstart, $3  }
0xcc: {  	[dreg:$0x1] =	wrdreg $0xFFFFFFFF  }
0xcd: {  	_ =	task.clear_ibuf [dreg:s12], $0x2FFFF;
	_ =	strace $0x9FFFFFFF  }
0xce: {  	(tm) =	ssettm $0x7FFFFFFF  }
0xcf: {  	_ =	shalt  }
tec
execute0_lowered:
.L_overlay_start_1:
0x0: {  	(tag) =	ssettag $0x1  }
0x1: {  	s1 =	srdreg.scid;
	s0 =	stileid.u32  }
0x2: {  	s5 =	sand.u32 $0x1, s1;
	s29 =	sshll.u32 s0, $0x1  }
0x3: {  	s12 =	sor.u32 s5, s29  }
0x4: {  	s2 =	simm.s32 $0xFFFFF100;
	p0 =	seq.s32 s12, $0x1F;
	s1 =	smul.u32 $0x1400, s12  }
0x5: {  	s2 =	simm.s32 @!p0 $0x0  }
0x6: {  	s6 =	rddreg [dreg:$0x0];
	s13 =	sadd.s32 s1, s2  }
0x7: {  	s7 =	rddreg [dreg:$0x1];
	s2 =	smulhi.u32 $0x68DB8BAD, s13;
	s1 =	sshra.s32 s13, $0x1F  }
0x8: {  	s11 =	rddreg [dreg:$0x3];
	s3 =	smul.u32 $0x68DB8BAD, s1  }
0x9: {  	s14 =	rddreg [dreg:$0x5]  }
0xa: {  	s15 =	simm.s32 $0x1;
	s18 =	simm.s32 $0x2;
	s2 =	sadd.s32 s3, s2  }
0xb: {  	s19 =	simm.s32 $0x0;
	s4 =	sshrl.u32 s2, $0x1F;
	s2 =	sshra.s32 s2, $0xC  }
0xc: {  	s5 =	ssub.s32 $0x2, s5;
	s30 =	smul.u32 $0x2780, s12;
	s8 =	sadd.s32 s4, s2  }
0xd: {  	s16 =	sshrl.u32 s5, $0x1;
	s1 =	rddreg [dreg:$0x2];
	s9 =	smul.u32 $0xFFFFD8F0, s8  }
0xe: {  	s16 =	ssub.s32 s5, s16;
	s10 =	ssub.s32 $0x0, s13;
	s3 =	rddreg [dreg:$0x4]  }
0xf: {  	p1 =	slt.s32 s13, $0x1;
	s2 =	rddreg [dreg:$0x6];
	p2 =	sne.s32 s9, s10  }
0x10: {  	s4 =	simm.s32 $0x0;
	s10 =	simm.s32 $0xFFFFF200;
	p1 =	por !p1, !p2  }
0x11: {  	[smem:$0x7FF] =	sst s4;
	s10 =	simm.s32 @!p0 $0x0;
	p0 =	por !p1, !p1  }
0x12: {  	_ =	strace $0x80000047;
	s9 =	sadd.s32 s30, s10;
	s15 =	simm.s32 @!p0 $0x0  }
0x13: {  	s10 =	sshrl.u32 s9, $0x2;
	s9 =	sshll.u32 s9, $0x1;
	p0 =	sne.s32 s12, $0x0  }
0x14: {  	s5 =	ssub.s32 s8, s15;
	s6 =	sadd.s32 s6, s10;
	s7 =	sadd.s32 s7, s10  }
0x15: {  	s8 =	simm.s32 $0x1;
	s17 =	sadd.s32 $0x9C400, s9;
	s15 =	smul.u32 $0xFFFFD8F0, s5  }
0x16: {  	s10 =	sadd.s32 s11, s10;
	s31 =	sshrl.u32 s17, $0x3;
	s17 =	simm.s32 $0x3  }
0x17: {  	s11 =	sadd.s32 s11, s31;
	s9 =	sadd.s32 s13, s15;
	s13 =	sshrl.u32 s13, $0x2  }
0x18: {  	s12 =	sadd.s32 s14, s13;
	s13 =	smax.u32 s16, $0x1;
	s16 =	sshll.u32 @!p0 s0, $0x6  }
0x19: {  	v0 =	vlaneseq.u32;
	s15 =	simm.s32 $0x7700;
	s14 =	simm.s32 $0x2800;
	s16 =	sor.u32 @!p0 $0x1C04, s16  }
.LBB2_1:
0x1a: {  	[tilespmem:s14], [sflag:$0x1] =	stream.linear.gather [hbm4b:s6+s4], $0x4F00, $0x38;
	[tilespmem:$0xC600] =	vst v63  }
0x1b: {  	s20 =	simm.s32 $0x80;
	s21 =	simm.s32 $0x0;
	s22 =	sadd.s32 $0x10, s9  }
0x1c: {  	s23 =	sshra.s32 s5, $0x1;
	s24 =	simm.s32 $0x1;
	p1 =	sgt.s32 s22, $0x270F  }
0x1d: {  	[tilespmem:s15], [sflag:$0x1] =	stream.linear.gather [hbm4b:s7+s4], $0x4F00, $0x38;
	[tilespmem:$0xC600] =	vst v63  }
0x1e: {  	s25 =	sand.u32 $0x1, s5;
	s28 =	simm.s32 $0x1;
	s24 =	simm.s32 @!p1 $0x0  }
0x1f: {  	[hbm:s3], [sflag:s16] =	dma.local @!p0 [hbm:s1], $0x80  }
0x20: {  	p3 =	seq.s32 s25, $0x1;
	s22 =	simm.s32 @p1 $0x0;
	s24 =	sadd.s32 s24, s5  }
0x21: {  	s25 =	sadd.s32 $0x10, s22;
	_ =	swait.ge [sflag:s8], $0x4F00;
	s26 =	sshra.s32 s24, $0x1  }
0x22: {  	p1 =	sgt.s32 s25, $0x270F;
	s29 =	sand.u32 $0x1, s24;
	[sflag:s8] =	ssyncset.done $0x0  }
0x23: {  	s28 =	simm.s32 @!p1 $0x0;
	s25 =	simm.s32 @p1 $0x0;
	p1 =	seq.s32 s29, $0x1  }
0x24: {  	s29 =	simm.s32 $0x1;
	[sflag:s8] =	ssyncadd.s32 $0xFFFFB100;
	s30 =	sadd.s32 s28, s24  }
0x25: {  	s24 =	sadd.s32 $0x10, s25;
	_ =	swait.ge [sflag:s8], $0x4F00;
	s28 =	sshra.s32 s30, $0x1  }
0x26: {  	p2 =	sgt.s32 s24, $0x270F;
	s31 =	sand.u32 $0x1, s30;
	[sflag:s8] =	ssyncset.done $0x0  }
0x27: {  	v1 =	vmov s23;
	s29 =	simm.s32 @!p2 $0x0;
	s24 =	simm.s32 @p2 $0x0;
	p5 =	seq.s32 s31, $0x1  }
0x28: {  	v1 =	vadd.s32 $0x2710, v1;
	v2 =	vmov s26;
	v5 =	vmov s28;
	s28 =	simm.s32 $0x1;
	[sflag:s8] =	ssyncadd.s32 $0xFFFFB100;
	s26 =	sadd.s32 $0x10, s24  }
0x29: {  	v1 =	vbroadcast v1, $0x0;
	[hbm4b:s10+s4] =	stream.linear.scatter [tilespmem:s14], [sflag:$0x2], $0x4F00, $0x38;
	[tilespmem:$0xC600] =	vst v63  }
0x2a: {  	v3 =	vadd.s32 s9, v0;
	v2 =	vadd.s32 $0x2710, v2;
	s23 =	sadd.s32 s29, s30;
	s29 =	simm.s32 $0x1;
	p4 =	sgt.s32 s26, $0x270F  }
0x2b: {  	v4 =	vpsel p3, v1, v3;
	v1 =	vpsel p3, v3, v1;
	v2 =	vbroadcast v2, $0x0;
	[hbm4b:s11+s4] =	stream.linear.scatter [tilespmem:s15], [sflag:$0x2], $0x4F00, $0x38;
	[tilespmem:$0xC600] =	vst v63  }
0x2c: {  	v3 =	vadd.s32 s22, v0;
	v6 =	vadd.s32 s25, v0;
	s30 =	sshra.s32 s23, $0x1;
	s29 =	simm.s32 @!p4 $0x0;
	s26 =	simm.s32 @p4 $0x0;
	[tilespmem:s20+$0xFFFFFF80] =	vst v4;
	v4 =	vadd.s32 $0x2710, v5  }
0x2d: {  	s31 =	sand.u32 $0x1, s23;
	v5 =	vmov s30;
	[tilespmem:s20+$0x0] =	vst v1;
	v1 =	vpsel p1, v2, v3;
	s30 =	sadd.s32 s29, s23;
	s23 =	sadd.s32 $0x10, s26;
	v4 =	vbroadcast v4, $0x0  }
0x2e: {  	v7 =	vadd.s32 s24, v0;
	p6 =	seq.s32 s31, $0x1;
	[tilespmem:s20+$0xFFFFFF90] =	vst v1;
	v1 =	vpsel p1, v3, v2;
	v2 =	vadd.s32 $0x2710, v5;
	s31 =	sshra.s32 s30, $0x1;
	p1 =	sgt.s32 s23, $0x270F  }
0x2f: {  	s29 =	sand.u32 $0x1, s30;
	[tilespmem:s20+$0x10] =	vst v1;
	v5 =	vbroadcast v2, $0x0;
	v2 =	vmov s31;
	s28 =	simm.s32 @!p1 $0x0;
	s23 =	simm.s32 @p1 $0x0;
	v1 =	vpsel p5, v4, v6  }
0x30: {  	v3 =	vadd.s32 s26, v0;
	s26 =	simm.s32 $0x1;
	v2 =	vadd.s32 $0x2710, v2;
	s22 =	sadd.s32 s28, s30;
	s24 =	sadd.s32 $0x10, s23;
	[tilespmem:s20+$0xFFFFFFA0] =	vst v1;
	v1 =	vpsel p5, v6, v4  }
0x31: {  	p2 =	seq.s32 s29, $0x1;
	v4 =	vbroadcast v2, $0x0;
	s30 =	sshra.s32 s22, $0x1;
	p1 =	sgt.s32 s24, $0x270F;
	[tilespmem:s20+$0x20] =	vst v1;
	v1 =	vpsel p6, v5, v7  }
0x32: {  	v2 =	vadd.s32 s23, v0;
	s31 =	sand.u32 $0x1, s22;
	v6 =	vmov s30;
	s26 =	simm.s32 @!p1 $0x0;
	s24 =	simm.s32 @p1 $0x0;
	[tilespmem:s20+$0xFFFFFFB0] =	vst v1;
	v1 =	vpsel p6, v7, v5  }
0x33: {  	p3 =	seq.s32 s31, $0x1;
	v5 =	vpsel p2, v4, v3;
	v6 =	vadd.s32 $0x2710, v6;
	s23 =	sadd.s32 s26, s22;
	s22 =	sadd.s32 $0x10, s24;
	[tilespmem:s20+$0x30] =	vst v1;
	v1 =	vadd.s32 s24, v0  }
.LBB2_2:
0x34: {  	s21 =	sadd.s32 $0x8, s21;
	[tilespmem:s20+$0xFFFFFFC0] =	vst v5;
	v3 =	vpsel p2, v3, v4;
	v4 =	vbroadcast v6, $0x0;
	s24 =	sshra.s32 s23, $0x1;
	p2 =	sgt.s32 s22, $0x270F  }
0x35: {  	[tilespmem:s20+$0x40] =	vst v3;
	v3 =	vmov s24;
	s24 =	simm.s32 $0x1  }
0x36: {  	p1 =	slt.u32 s21, $0x138;
	s22 =	simm.s32 @p2 $0x0;
	s24 =	simm.s32 @!p2 $0x0  }
0x37: {  	s25 =	sand.u32 $0x1, s23;
	v5 =	vpsel p3, v4, v2;
	v3 =	vadd.s32 $0x2710, v3;
	v6 =	vadd.s32 s22, v0;
	s22 =	sadd.s32 $0x10, s22;
	s23 =	sadd.s32 s24, s23  }
0x38: {  	v2 =	vpsel p3, v2, v4;
	v3 =	vbroadcast v3, $0x0;
	p3 =	sgt.s32 s22, $0x270F;
	[tilespmem:s20+$0xFFFFFFD0] =	vst v5;
	s24 =	sshra.s32 s23, $0x1;
	s26 =	sand.u32 $0x1, s23  }
0x39: {  	[tilespmem:s20+$0x50] =	vst v2;
	v2 =	vmov s24;
	s24 =	simm.s32 $0x1  }
0x3a: {  	s24 =	simm.s32 @!p3 $0x0  }
0x3b: {  	s22 =	simm.s32 @p3 $0x0;
	p2 =	seq.s32 s26, $0x1;
	s23 =	sadd.s32 s24, s23  }
0x3c: {  	v4 =	vadd.s32 s22, v0;
	s22 =	sadd.s32 $0x10, s22;
	p3 =	seq.s32 s25, $0x1;
	v2 =	vadd.s32 $0x2710, v2;
	s24 =	sshra.s32 s23, $0x1  }
0x3d: {  	p4 =	sgt.s32 s22, $0x270F;
	v5 =	vpsel p3, v3, v1;
	v1 =	vpsel p3, v1, v3;
	v3 =	vmov s24;
	s24 =	simm.s32 $0x1  }
0x3e: {  	v2 =	vbroadcast v2, $0x0;
	s25 =	sand.u32 $0x1, s23;
	s24 =	simm.s32 @!p4 $0x0  }
0x3f: {  	s22 =	simm.s32 @p4 $0x0;
	p3 =	seq.s32 s25, $0x1;
	[tilespmem:s20+$0xFFFFFFE0] =	vst v5;
	s23 =	sadd.s32 s24, s23  }
0x40: {  	v5 =	vadd.s32 s22, v0;
	s22 =	sadd.s32 $0x10, s22;
	v3 =	vadd.s32 $0x2710, v3;
	[tilespmem:s20+$0x60] =	vst v1;
	v1 =	vpsel p2, v2, v6;
	s24 =	sshra.s32 s23, $0x1  }
0x41: {  	p4 =	sgt.s32 s22, $0x270F;
	v3 =	vbroadcast v3, $0x0;
	s25 =	sand.u32 $0x1, s23;
	[tilespmem:s20+$0xFFFFFFF0] =	vst v1;
	v1 =	vpsel p2, v6, v2;
	v2 =	vmov s24;
	s24 =	simm.s32 $0x1  }
0x42: {  	s22 =	simm.s32 @p4 $0x0;
	p2 =	seq.s32 s25, $0x1;
	[tilespmem:s20+$0x70] =	vst v1;
	s24 =	simm.s32 @!p4 $0x0  }
0x43: {  	v6 =	vadd.s32 s22, v0;
	s22 =	sadd.s32 $0x10, s22;
	v1 =	vpsel p3, v3, v4;
	s20 =	sadd.s32 $0x100, s20;
	v2 =	vadd.s32 $0x2710, v2;
	s23 =	sadd.s32 s24, s23  }
0x44: {  	p4 =	sgt.s32 s22, $0x270F;
	v2 =	vbroadcast v2, $0x0;
	[tilespmem:s20+$0xFFFFFF80] =	vst v1;
	v1 =	vpsel p3, v4, v3;
	s24 =	sshra.s32 s23, $0x1;
	s25 =	sand.u32 $0x1, s23  }
0x45: {  	[tilespmem:s20+$0x0] =	vst v1;
	v1 =	vmov s24;
	s24 =	simm.s32 $0x1  }
0x46: {  	s22 =	simm.s32 @p4 $0x0;
	p3 =	seq.s32 s25, $0x1;
	s24 =	simm.s32 @!p4 $0x0  }
0x47: {  	v4 =	vadd.s32 s22, v0;
	s22 =	sadd.s32 $0x10, s22;
	v3 =	vpsel p2, v2, v5;
	v1 =	vadd.s32 $0x2710, v1;
	s23 =	sadd.s32 s24, s23  }
0x48: {  	v2 =	vpsel p2, v5, v2;
	p2 =	sgt.s32 s22, $0x270F;
	v1 =	vbroadcast v1, $0x0;
	[tilespmem:s20+$0xFFFFFF90] =	vst v3;
	s24 =	sshra.s32 s23, $0x1;
	s25 =	sand.u32 $0x1, s23  }
0x49: {  	[tilespmem:s20+$0x10] =	vst v2;
	v2 =	vmov s24;
	s24 =	simm.s32 $0x1  }
0x4a: {  	s22 =	simm.s32 @p2 $0x0;
	p4 =	seq.s32 s25, $0x1;
	s24 =	simm.s32 @!p2 $0x0  }
0x4b: {  	v3 =	vadd.s32 s22, v0;
	s22 =	sadd.s32 $0x10, s22;
	v5 =	vpsel p3, v1, v6;
	v2 =	vadd.s32 $0x2710, v2;
	s23 =	sadd.s32 s24, s23  }
0x4c: {  	v1 =	vpsel p3, v6, v1;
	p3 =	sgt.s32 s22, $0x270F;
	[tilespmem:s20+$0xFFFFFFA0] =	vst v5;
	v5 =	vbroadcast v2, $0x0;
	s24 =	sshra.s32 s23, $0x1;
	s25 =	sand.u32 $0x1, s23  }
0x4d: {  	[tilespmem:s20+$0x20] =	vst v1;
	v1 =	vmov s24;
	s24 =	simm.s32 $0x1  }
0x4e: {  	s22 =	simm.s32 @p3 $0x0;
	s24 =	simm.s32 @!p3 $0x0  }
.Ltmp0:
0x4f: {  	p2 =	seq.s32 s25, $0x1;
	s23 =	sadd.s32 s24, s23;
	(pc) =	sbr.rel @p1 .LBB2_2-.Ltmp0, $4  }
0x50: {  	v2 =	vadd.s32 s22, v0;
	s22 =	sadd.s32 $0x10, s22;
	v6 =	vpsel p4, v5, v4;
	v1 =	vadd.s32 $0x2710, v1;
	s24 =	sshra.s32 s23, $0x1  }
0x51: {  	v5 =	vpsel p4, v4, v5;
	p4 =	sgt.s32 s22, $0x270F;
	v4 =	vbroadcast v1, $0x0;
	[tilespmem:s20+$0xFFFFFFB0] =	vst v6;
	s25 =	sand.u32 $0x1, s23;
	v1 =	vmov s24;
	s24 =	simm.s32 $0x1  }
0x52: {  	s22 =	simm.s32 @p4 $0x0;
	[tilespmem:s20+$0x30] =	vst v5;
	p3 =	seq.s32 s25, $0x1;
	s24 =	simm.s32 @!p4 $0x0  }
0x53: {  	v5 =	vpsel p2, v4, v3;
	v6 =	vadd.s32 $0x2710, v1;
	v1 =	vadd.s32 s22, v0;
	s22 =	sadd.s32 $0x10, s22;
	s23 =	sadd.s32 s24, s23  }
0x54: {  	p1 =	sgt.s32 s22, $0x270F;
	s21 =	simm.s32 $0x1  }
0x55: {  	s24 =	sshra.s32 s23, $0x1;
	s21 =	simm.s32 @!p1 $0x0  }
0x56: {  	v6 =	vbroadcast v6, $0x0;
	v7 =	vmov s24;
	s21 =	sadd.s32 s21, s23  }
0x57: {  	v3 =	vpsel p2, v3, v4;
	[tilespmem:s20+$0xFFFFFFC0] =	vst v5;
	v61 =	vadd.s32 $0x2710, v7;
	s30 =	sshra.s32 s21, $0x1  }
0x58: {  	s31 =	sand.u32 $0x1, s23;
	[tilespmem:s20+$0x40] =	vst v3;
	v3 =	vpsel p3, v6, v2;
	v4 =	vbroadcast v61, $0x0;
	v62 =	vmov s30  }
0x59: {  	p5 =	seq.s32 s31, $0x1;
	v2 =	vpsel p3, v2, v6;
	[tilespmem:s20+$0xFFFFFFD0] =	vst v3;
	v3 =	vadd.s32 $0x2710, v62  }
0x5a: {  	s22 =	simm.s32 @p1 $0x0;
	s21 =	sand.u32 $0x1, s21;
	[tilespmem:s20+$0x50] =	vst v2;
	v2 =	vpsel p5, v4, v1;
	v3 =	vbroadcast v3, $0x0  }
0x5b: {  	v63 =	vadd.s32 s22, v0;
	p6 =	seq.s32 s21, $0x1;
	v1 =	vpsel p5, v1, v4;
	[tilespmem:s20+$0xFFFFFFE0] =	vst v2  }
0x5c: {  	[tilespmem:s20+$0x60] =	vst v1;
	v1 =	vpsel p6, v3, v63  }
0x5d: {  	[tilespmem:s20+$0xFFFFFFF0] =	vst v1;
	v1 =	vpsel p6, v63, v3  }
0x5e: {  	[tilespmem:s20+$0x70] =	vst v1  }
0x5f: {  	[hbm4b:s12+s4] =	stream.linear.scatter [tilespmem:s4], [sflag:$0x3], $0x2800, $0x38;
	[tilespmem:$0xC600] =	vst v63  }
0x60: {  	_ =	swait.ge [sflag:s17], $0x2800  }
0x61: {  	[sflag:s17] =	ssyncset.done $0x0  }
0x62: {  	[sflag:s17] =	ssyncadd.s32 $0xFFFFD800  }
0x63: {  	_ =	swait.ge [sflag:s18], $0x4F00  }
0x64: {  	[sflag:s18] =	ssyncset.done $0x0  }
0x65: {  	s19 =	sadd.s32 $0x1, s19;
	[sflag:s18] =	ssyncadd.s32 $0xFFFFB100  }
0x66: {  	p1 =	sne.s32 s19, s13;
	_ =	swait.ge [sflag:s18], $0x4F00  }
.Ltmp1:
0x67: {  	[sflag:s18] =	ssyncset.done $0x0;
	(pc) =	sbr.rel @p1 .LBB2_1-.Ltmp1, $4  }
0x68: {  	s20 =	simm.s32 @!p0 $0x4;
	[sflag:s18] =	ssyncadd.s32 $0xFFFFB100  }
0x69: {  	_ =	swait.ge @!p0 [sflag:s20], $0x80  }
0x6a: {  	[sflag:s20] =	ssyncset.done @!p0 $0x0  }
0x6b: {  	[sflag:s20] =	ssyncadd.s32 @!p0 $0xFFFFFF80  }
0x6c: {  	_ =	sfence.sel $0x180000  }
0x6d: {  	[bflag:$0x0] =	sbarrier.arrive $0xFFFF  }
0x6e: {  	p0 =	sne.s32 s0, $0x0;
	_ =	strace $0x90000047  }
0x6f: {  	s0 =	sadd.s32 @!p0 $0x100000, s2;
	[bflag:$0x2] =	sbarrier.arrive $0xFFFF  }
0x70: {  	[sflag:s0] =	ssyncadd.tile.s32 @!p0 $0x1;
	_ =	shalt  }
.Lfunc_end2:
_tile_overlayer_lowered:
.L_overlay_start_2:
0x71: {  	(tag) =	ssettag $0x2  }
0x72: {  	s0 =	rddreg [dreg:$0x0];
	s2 =	stileid.u32  }
0x73: {  	s1 =	rddreg [dreg:$0x1];
	p0 =	sne.s32 s2, $0x0  }
0x74: {  	s3 =	rddreg [dreg:$0x2];
	[bflag:$0x3] =	sbarrier.arrive $0xFFFF;
	s2 =	simm.s32 @!p0 $0x1C05  }
0x75: {  	[timem:s3], [sflag:s2] =	dma.local @!p0 [hbm:s0], s1  }
0x76: {  	s0 =	simm.s32 @!p0 $0x5  }
0x77: {  	_ =	swait.ge @!p0 [sflag:s0], s1  }
0x78: {  	s1 =	ssub.s32 @!p0 $0x0, s1;
	[sflag:s0] =	ssyncset.done @!p0 $0x0  }
0x79: {  	[sflag:s0] =	ssyncadd.s32 @!p0 s1  }
0x7a: {  	[bflag:$0x3] =	sbarrier.arrive $0xFFFF  }
0x7b: {  	_ =	shalt  }

</sc_bundles>
